<compile_context>
chip_gen: v7x
topology: tpu7x:2x2x1
jax: 0.10.2.dev20260603
libtpu: 0.0.44.dev20260713+nightly
codegen_flags: <defaults>
</compile_context>

<pallas_src>
import functools

import jax
import jax.numpy as jnp
from jax import lax
from jax.experimental import pallas as pl
from jax.experimental.pallas import tpu as pltpu
from jax.experimental.pallas import tpu_sc as plsc

_B = 16384
_D = 32
_NC = 2
_NS = 16
_NW = _NC * _NS
_BPW = _B // _NW
_CHUNK = 128
_NCHUNK = _BPW // _CHUNK

_mesh = plsc.VectorSubcoreMesh(core_axis_name="c", subcore_axis_name="s")


@functools.partial(
    pl.kernel,
    mesh=_mesh,
    compiler_params=pltpu.CompilerParams(use_tc_tiling_on_sc=False),
    out_type=jax.ShapeDtypeStruct((_B, _D), jnp.float32),
    scratch_types=[
        pltpu.VMEM((_BPW,), jnp.int32),
        pltpu.VMEM((_BPW,), jnp.int32),
        pltpu.VMEM((_BPW, _D), jnp.float32),
        pltpu.VMEM((_BPW, _D), jnp.float32),
        pltpu.SemaphoreType.DMA,
        pltpu.SemaphoreType.DMA,
    ],
)
def _funk_fwd(item_hbm, user_hbm, items_hbm, users_hbm, out_hbm,
              iidx, uidx, irows, urows, sem_i, sem_u):
    wid = lax.axis_index("s") * _NC + lax.axis_index("c")
    base = wid * _BPW

    pltpu.sync_copy(item_hbm.at[pl.ds(base, _BPW)], iidx)
    pltpu.sync_copy(user_hbm.at[pl.ds(base, _BPW)], uidx)

    copies = []
    for c in range(_NCHUNK):
        sl = pl.ds(c * _CHUNK, _CHUNK)
        copies.append(
            pltpu.async_copy(items_hbm.at[iidx.at[sl]], irows.at[sl], sem_i))
        copies.append(
            pltpu.async_copy(users_hbm.at[uidx.at[sl]], urows.at[sl], sem_u))
    for cp in copies:
        cp.wait()

    def body(i, carry):
        for h in range(_D // 16):
            sl = pl.ds(h * 16, 16)
            irows[i, sl] = irows[i, sl] * urows[i, sl]
        return carry

    lax.fori_loop(0, _BPW, body, 0, unroll=4)

    pltpu.sync_copy(irows, out_hbm.at[pl.ds(base, _BPW)])


def kernel(item, user, users, items):
    return _funk_fwd(item, user, items, users)

# --- scband reference (transcript-rebuilt; emitter-appended) ---
"""Pipeline reference for scband-funk-svd-60705067761815 (READ-ONLY COPY).

The authoritative reference and input builder live on the scoring server;
editing this copy changes nothing except your own understanding.
"""

import jax, jax.numpy as jnp
import numpy as np

N_USERS = 1000000
N_ITEMS = 1000000
EMBED_DIM = 32
BATCH = 16384


def setup_inputs(seed: int = 0) -> dict:
    key = jax.random.key(seed)
    k1, k2, k3, k4 = jax.random.split(key, 4)
    item = jax.random.randint(k1, (BATCH,), 0, N_ITEMS, dtype=jnp.int32)
    user = jax.random.randint(k2, (BATCH,), 0, N_USERS, dtype=jnp.int32)
    # Learned embedding tables (the original torch code initializes them as zeros;
    # we use random floats so the reference computation is numerically meaningful).
    users = jax.random.normal(k3, (N_USERS, EMBED_DIM), dtype=jnp.float32) * 0.1
    items = jax.random.normal(k4, (N_ITEMS, EMBED_DIM), dtype=jnp.float32) * 0.1
    return {"item": item, "user": user, "users": users, "items": items}


def reference(item, user, users, items):
    # FunkSVD forward: elementwise product of item embedding and user embedding.
    # For a scalar index the original `self.items[item].T * self.users[user]`
    # is an elementwise product of two [D] vectors (.T is a no-op on 1-D);
    # batched over BATCH indices this is [B, D] * [B, D].
    item_emb = jnp.take(items, item, axis=0)
    user_emb = jnp.take(users, user, axis=0)
    return item_emb * user_emb

if __name__ == "__main__":
    import jax
    _d = setup_inputs()
    print(jax.jit(kernel)(*tuple(_d.values())))

</pallas_src>

<mosaic_0001>
#map = affine_map<(d0, d1) -> (0)>
#map1 = affine_map<(d0, d1) -> (0, 0)>
module attributes {stable_mosaic.version = 14 : i64} {
  func.func @_funk_fwd(%arg0: i32, %arg1: i32, %arg2: memref<16384xi32, #tpu.memory_space<hbm>>, %arg3: memref<16384xi32, #tpu.memory_space<hbm>>, %arg4: memref<1000000x32xf32, #tpu.memory_space<hbm>>, %arg5: memref<1000000x32xf32, #tpu.memory_space<hbm>>, %arg6: memref<16384x32xf32, #tpu.memory_space<hbm>>, %arg7: memref<512xi32, #tpu.memory_space<vmem>>, %arg8: memref<512xi32, #tpu.memory_space<vmem>>, %arg9: memref<512x32xf32, #tpu.memory_space<vmem>>, %arg10: memref<512x32xf32, #tpu.memory_space<vmem>>, %arg11: memref<!tpu.dma_semaphore, #tpu.memory_space<semaphore_mem>>, %arg12: memref<!tpu.dma_semaphore, #tpu.memory_space<semaphore_mem>>) attributes {dimension_semantics = [#tpu.dimension_semantics<core_parallel>, #tpu.dimension_semantics<subcore_parallel>], iteration_bounds = array<i64: 2, 16>, scalar_prefetch = 0 : i64, scratch_operands = 6 : i64, tpu.core_type = #tpu.core_type<sc_vector_subcore>, window_params = [{transform_indices = #map}, {transform_indices = #map}, {transform_indices = #map1}, {transform_indices = #map1}, {transform_indices = #map1}]} {
    %mul3A = arith.constant 2 : i32
    %mul3A_0 = arith.muli %arg1, %mul3A : i32
    %add3A = arith.addi %mul3A_0, %arg0 : i32
    %mul3A_1 = arith.constant 512 : i32
    %mul3A_2 = arith.muli %add3A, %mul3A_1 : i32
    "tpu.region"() ({
      %run_scoped3A = tpu.sem_alloc : memref<!tpu.dma_semaphore, #tpu.memory_space<semaphore_mem>>
      %dma_start3A_134 = tpu.memref_slice %arg2[%mul3A_2] : memref<16384xi32, #tpu.memory_space<hbm>> -> memref<512xi32, #tpu.memory_space<hbm>>
      %dma_start3A_135 = tpu.memref_slice %arg2[%mul3A_2] : memref<16384xi32, #tpu.memory_space<hbm>> -> memref<512xi32, #tpu.memory_space<hbm>>
      tpu.enqueue_dma source(%dma_start3A_135 : memref<512xi32, #tpu.memory_space<hbm>>) target(%arg7 : memref<512xi32, #tpu.memory_space<vmem>>) target_semaphore(%run_scoped3A : memref<!tpu.dma_semaphore, #tpu.memory_space<semaphore_mem>>)
      %dma_wait3A_136 = tpu.memref_slice %arg2[%mul3A_2] : memref<16384xi32, #tpu.memory_space<hbm>> -> memref<512xi32, #tpu.memory_space<hbm>>
      %dma_wait3A_137 = tpu.memref_slice %arg2[%mul3A_2] : memref<16384xi32, #tpu.memory_space<hbm>> -> memref<512xi32, #tpu.memory_space<hbm>>
      tpu.wait_dma2 semaphore(%run_scoped3A : memref<!tpu.dma_semaphore, #tpu.memory_space<semaphore_mem>>) src(%dma_wait3A_137 : memref<512xi32, #tpu.memory_space<hbm>>) dst(%arg7 : memref<512xi32, #tpu.memory_space<vmem>>)
      tpu.yield
    }) : () -> ()
    "tpu.region"() ({
      %run_scoped3A = tpu.sem_alloc : memref<!tpu.dma_semaphore, #tpu.memory_space<semaphore_mem>>
      %dma_start3A_134 = tpu.memref_slice %arg3[%mul3A_2] : memref<16384xi32, #tpu.memory_space<hbm>> -> memref<512xi32, #tpu.memory_space<hbm>>
      %dma_start3A_135 = tpu.memref_slice %arg3[%mul3A_2] : memref<16384xi32, #tpu.memory_space<hbm>> -> memref<512xi32, #tpu.memory_space<hbm>>
      tpu.enqueue_dma source(%dma_start3A_135 : memref<512xi32, #tpu.memory_space<hbm>>) target(%arg8 : memref<512xi32, #tpu.memory_space<vmem>>) target_semaphore(%run_scoped3A : memref<!tpu.dma_semaphore, #tpu.memory_space<semaphore_mem>>)
      %dma_wait3A_136 = tpu.memref_slice %arg3[%mul3A_2] : memref<16384xi32, #tpu.memory_space<hbm>> -> memref<512xi32, #tpu.memory_space<hbm>>
      %dma_wait3A_137 = tpu.memref_slice %arg3[%mul3A_2] : memref<16384xi32, #tpu.memory_space<hbm>> -> memref<512xi32, #tpu.memory_space<hbm>>
      tpu.wait_dma2 semaphore(%run_scoped3A : memref<!tpu.dma_semaphore, #tpu.memory_space<semaphore_mem>>) src(%dma_wait3A_137 : memref<512xi32, #tpu.memory_space<hbm>>) dst(%arg8 : memref<512xi32, #tpu.memory_space<vmem>>)
      tpu.yield
    }) : () -> ()
    %dma_start3A = arith.constant 0 : i32
    %dma_start3A_3 = arith.constant 0 : i32
    %dma_start3A_4 = tpu.memref_slice %arg9[%dma_start3A, %dma_start3A_3] : memref<512x32xf32, #tpu.memory_space<vmem>> -> memref<128x32xf32, #tpu.memory_space<vmem>>
    %dma_start3A_5 = arith.constant 0 : i32
    %dma_start3A_6 = tpu.memref_slice %arg7[%dma_start3A_5] : memref<512xi32, #tpu.memory_space<vmem>> -> memref<128xi32, #tpu.memory_space<vmem>>
    %dma_start3A_7 = arith.constant 0 : i32
    %dma_start3A_8 = arith.constant 0 : i32
    %dma_start3A_9 = tpu.memref_slice %arg4[%dma_start3A_7, %dma_start3A_8] : memref<1000000x32xf32, #tpu.memory_space<hbm>> -> memref<1000000x32xf32, #tpu.memory_space<hbm>>
    tpu.enqueue_indirect_dma source(%dma_start3A_9 : memref<1000000x32xf32, #tpu.memory_space<hbm>>) target(%dma_start3A_4 : memref<128x32xf32, #tpu.memory_space<vmem>>) offsets(%dma_start3A_6 : memref<128xi32, #tpu.memory_space<vmem>>) semaphore(%arg11 : memref<!tpu.dma_semaphore, #tpu.memory_space<semaphore_mem>>)
    %dma_start3A_10 = arith.constant 0 : i32
    %dma_start3A_11 = arith.constant 0 : i32
    %dma_start3A_12 = tpu.memref_slice %arg10[%dma_start3A_10, %dma_start3A_11] : memref<512x32xf32, #tpu.memory_space<vmem>> -> memref<128x32xf32, #tpu.memory_space<vmem>>
    %dma_start3A_13 = arith.constant 0 : i32
    %dma_start3A_14 = tpu.memref_slice %arg8[%dma_start3A_13] : memref<512xi32, #tpu.memory_space<vmem>> -> memref<128xi32, #tpu.memory_space<vmem>>
    %dma_start3A_15 = arith.constant 0 : i32
    %dma_start3A_16 = arith.constant 0 : i32
    %dma_start3A_17 = tpu.memref_slice %arg5[%dma_start3A_15, %dma_start3A_16] : memref<1000000x32xf32, #tpu.memory_space<hbm>> -> memref<1000000x32xf32, #tpu.memory_space<hbm>>
    tpu.enqueue_indirect_dma source(%dma_start3A_17 : memref<1000000x32xf32, #tpu.memory_space<hbm>>) target(%dma_start3A_12 : memref<128x32xf32, #tpu.memory_space<vmem>>) offsets(%dma_start3A_14 : memref<128xi32, #tpu.memory_space<vmem>>) semaphore(%arg12 : memref<!tpu.dma_semaphore, #tpu.memory_space<semaphore_mem>>)
    %dma_start3A_18 = arith.constant 128 : i32
    %dma_start3A_19 = arith.constant 0 : i32
    %dma_start3A_20 = tpu.memref_slice %arg9[%dma_start3A_18, %dma_start3A_19] : memref<512x32xf32, #tpu.memory_space<vmem>> -> memref<128x32xf32, #tpu.memory_space<vmem>>
    %dma_start3A_21 = arith.constant 128 : i32
    %dma_start3A_22 = tpu.memref_slice %arg7[%dma_start3A_21] : memref<512xi32, #tpu.memory_space<vmem>> -> memref<128xi32, #tpu.memory_space<vmem>>
    %dma_start3A_23 = arith.constant 0 : i32
    %dma_start3A_24 = arith.constant 0 : i32
    %dma_start3A_25 = tpu.memref_slice %arg4[%dma_start3A_23, %dma_start3A_24] : memref<1000000x32xf32, #tpu.memory_space<hbm>> -> memref<1000000x32xf32, #tpu.memory_space<hbm>>
    tpu.enqueue_indirect_dma source(%dma_start3A_25 : memref<1000000x32xf32, #tpu.memory_space<hbm>>) target(%dma_start3A_20 : memref<128x32xf32, #tpu.memory_space<vmem>>) offsets(%dma_start3A_22 : memref<128xi32, #tpu.memory_space<vmem>>) semaphore(%arg11 : memref<!tpu.dma_semaphore, #tpu.memory_space<semaphore_mem>>)
    %dma_start3A_26 = arith.constant 128 : i32
    %dma_start3A_27 = arith.constant 0 : i32
    %dma_start3A_28 = tpu.memref_slice %arg10[%dma_start3A_26, %dma_start3A_27] : memref<512x32xf32, #tpu.memory_space<vmem>> -> memref<128x32xf32, #tpu.memory_space<vmem>>
    %dma_start3A_29 = arith.constant 128 : i32
    %dma_start3A_30 = tpu.memref_slice %arg8[%dma_start3A_29] : memref<512xi32, #tpu.memory_space<vmem>> -> memref<128xi32, #tpu.memory_space<vmem>>
    %dma_start3A_31 = arith.constant 0 : i32
    %dma_start3A_32 = arith.constant 0 : i32
    %dma_start3A_33 = tpu.memref_slice %arg5[%dma_start3A_31, %dma_start3A_32] : memref<1000000x32xf32, #tpu.memory_space<hbm>> -> memref<1000000x32xf32, #tpu.memory_space<hbm>>
    tpu.enqueue_indirect_dma source(%dma_start3A_33 : memref<1000000x32xf32, #tpu.memory_space<hbm>>) target(%dma_start3A_28 : memref<128x32xf32, #tpu.memory_space<vmem>>) offsets(%dma_start3A_30 : memref<128xi32, #tpu.memory_space<vmem>>) semaphore(%arg12 : memref<!tpu.dma_semaphore, #tpu.memory_space<semaphore_mem>>)
    %dma_start3A_34 = arith.constant 256 : i32
    %dma_start3A_35 = arith.constant 0 : i32
    %dma_start3A_36 = tpu.memref_slice %arg9[%dma_start3A_34, %dma_start3A_35] : memref<512x32xf32, #tpu.memory_space<vmem>> -> memref<128x32xf32, #tpu.memory_space<vmem>>
    %dma_start3A_37 = arith.constant 256 : i32
    %dma_start3A_38 = tpu.memref_slice %arg7[%dma_start3A_37] : memref<512xi32, #tpu.memory_space<vmem>> -> memref<128xi32, #tpu.memory_space<vmem>>
    %dma_start3A_39 = arith.constant 0 : i32
    %dma_start3A_40 = arith.constant 0 : i32
    %dma_start3A_41 = tpu.memref_slice %arg4[%dma_start3A_39, %dma_start3A_40] : memref<1000000x32xf32, #tpu.memory_space<hbm>> -> memref<1000000x32xf32, #tpu.memory_space<hbm>>
    tpu.enqueue_indirect_dma source(%dma_start3A_41 : memref<1000000x32xf32, #tpu.memory_space<hbm>>) target(%dma_start3A_36 : memref<128x32xf32, #tpu.memory_space<vmem>>) offsets(%dma_start3A_38 : memref<128xi32, #tpu.memory_space<vmem>>) semaphore(%arg11 : memref<!tpu.dma_semaphore, #tpu.memory_space<semaphore_mem>>)
    %dma_start3A_42 = arith.constant 256 : i32
    %dma_start3A_43 = arith.constant 0 : i32
    %dma_start3A_44 = tpu.memref_slice %arg10[%dma_start3A_42, %dma_start3A_43] : memref<512x32xf32, #tpu.memory_space<vmem>> -> memref<128x32xf32, #tpu.memory_space<vmem>>
    %dma_start3A_45 = arith.constant 256 : i32
    %dma_start3A_46 = tpu.memref_slice %arg8[%dma_start3A_45] : memref<512xi32, #tpu.memory_space<vmem>> -> memref<128xi32, #tpu.memory_space<vmem>>
    %dma_start3A_47 = arith.constant 0 : i32
    %dma_start3A_48 = arith.constant 0 : i32
    %dma_start3A_49 = tpu.memref_slice %arg5[%dma_start3A_47, %dma_start3A_48] : memref<1000000x32xf32, #tpu.memory_space<hbm>> -> memref<1000000x32xf32, #tpu.memory_space<hbm>>
    tpu.enqueue_indirect_dma source(%dma_start3A_49 : memref<1000000x32xf32, #tpu.memory_space<hbm>>) target(%dma_start3A_44 : memref<128x32xf32, #tpu.memory_space<vmem>>) offsets(%dma_start3A_46 : memref<128xi32, #tpu.memory_space<vmem>>) semaphore(%arg12 : memref<!tpu.dma_semaphore, #tpu.memory_space<semaphore_mem>>)
    %dma_start3A_50 = arith.constant 384 : i32
    %dma_start3A_51 = arith.constant 0 : i32
    %dma_start3A_52 = tpu.memref_slice %arg9[%dma_start3A_50, %dma_start3A_51] : memref<512x32xf32, #tpu.memory_space<vmem>> -> memref<128x32xf32, #tpu.memory_space<vmem>>
    %dma_start3A_53 = arith.constant 384 : i32
    %dma_start3A_54 = tpu.memref_slice %arg7[%dma_start3A_53] : memref<512xi32, #tpu.memory_space<vmem>> -> memref<128xi32, #tpu.memory_space<vmem>>
    %dma_start3A_55 = arith.constant 0 : i32
    %dma_start3A_56 = arith.constant 0 : i32
    %dma_start3A_57 = tpu.memref_slice %arg4[%dma_start3A_55, %dma_start3A_56] : memref<1000000x32xf32, #tpu.memory_space<hbm>> -> memref<1000000x32xf32, #tpu.memory_space<hbm>>
    tpu.enqueue_indirect_dma source(%dma_start3A_57 : memref<1000000x32xf32, #tpu.memory_space<hbm>>) target(%dma_start3A_52 : memref<128x32xf32, #tpu.memory_space<vmem>>) offsets(%dma_start3A_54 : memref<128xi32, #tpu.memory_space<vmem>>) semaphore(%arg11 : memref<!tpu.dma_semaphore, #tpu.memory_space<semaphore_mem>>)
    %dma_start3A_58 = arith.constant 384 : i32
    %dma_start3A_59 = arith.constant 0 : i32
    %dma_start3A_60 = tpu.memref_slice %arg10[%dma_start3A_58, %dma_start3A_59] : memref<512x32xf32, #tpu.memory_space<vmem>> -> memref<128x32xf32, #tpu.memory_space<vmem>>
    %dma_start3A_61 = arith.constant 384 : i32
    %dma_start3A_62 = tpu.memref_slice %arg8[%dma_start3A_61] : memref<512xi32, #tpu.memory_space<vmem>> -> memref<128xi32, #tpu.memory_space<vmem>>
    %dma_start3A_63 = arith.constant 0 : i32
    %dma_start3A_64 = arith.constant 0 : i32
    %dma_start3A_65 = tpu.memref_slice %arg5[%dma_start3A_63, %dma_start3A_64] : memref<1000000x32xf32, #tpu.memory_space<hbm>> -> memref<1000000x32xf32, #tpu.memory_space<hbm>>
    tpu.enqueue_indirect_dma source(%dma_start3A_65 : memref<1000000x32xf32, #tpu.memory_space<hbm>>) target(%dma_start3A_60 : memref<128x32xf32, #tpu.memory_space<vmem>>) offsets(%dma_start3A_62 : memref<128xi32, #tpu.memory_space<vmem>>) semaphore(%arg12 : memref<!tpu.dma_semaphore, #tpu.memory_space<semaphore_mem>>)
    %dma_wait3A = arith.constant 0 : i32
    %dma_wait3A_66 = arith.constant 0 : i32
    %dma_wait3A_67 = tpu.memref_slice %arg9[%dma_wait3A, %dma_wait3A_66] : memref<512x32xf32, #tpu.memory_space<vmem>> -> memref<128x32xf32, #tpu.memory_space<vmem>>
    %dma_wait3A_68 = arith.constant 0 : i32
    %dma_wait3A_69 = tpu.memref_slice %arg7[%dma_wait3A_68] : memref<512xi32, #tpu.memory_space<vmem>> -> memref<128xi32, #tpu.memory_space<vmem>>
    %dma_wait3A_70 = arith.constant 0 : i32
    %dma_wait3A_71 = arith.constant 0 : i32
    %dma_wait3A_72 = tpu.memref_slice %arg4[%dma_wait3A_70, %dma_wait3A_71] : memref<1000000x32xf32, #tpu.memory_space<hbm>> -> memref<1000000x32xf32, #tpu.memory_space<hbm>>
    tpu.wait_indirect_dma semaphore(%arg11 : memref<!tpu.dma_semaphore, #tpu.memory_space<semaphore_mem>>) src(%dma_wait3A_72 : memref<1000000x32xf32, #tpu.memory_space<hbm>>) dst(%dma_wait3A_67 : memref<128x32xf32, #tpu.memory_space<vmem>>)
    %dma_wait3A_73 = arith.constant 0 : i32
    %dma_wait3A_74 = arith.constant 0 : i32
    %dma_wait3A_75 = tpu.memref_slice %arg10[%dma_wait3A_73, %dma_wait3A_74] : memref<512x32xf32, #tpu.memory_space<vmem>> -> memref<128x32xf32, #tpu.memory_space<vmem>>
    %dma_wait3A_76 = arith.constant 0 : i32
    %dma_wait3A_77 = tpu.memref_slice %arg8[%dma_wait3A_76] : memref<512xi32, #tpu.memory_space<vmem>> -> memref<128xi32, #tpu.memory_space<vmem>>
    %dma_wait3A_78 = arith.constant 0 : i32
    %dma_wait3A_79 = arith.constant 0 : i32
    %dma_wait3A_80 = tpu.memref_slice %arg5[%dma_wait3A_78, %dma_wait3A_79] : memref<1000000x32xf32, #tpu.memory_space<hbm>> -> memref<1000000x32xf32, #tpu.memory_space<hbm>>
    tpu.wait_indirect_dma semaphore(%arg12 : memref<!tpu.dma_semaphore, #tpu.memory_space<semaphore_mem>>) src(%dma_wait3A_80 : memref<1000000x32xf32, #tpu.memory_space<hbm>>) dst(%dma_wait3A_75 : memref<128x32xf32, #tpu.memory_space<vmem>>)
    %dma_wait3A_81 = arith.constant 128 : i32
    %dma_wait3A_82 = arith.constant 0 : i32
    %dma_wait3A_83 = tpu.memref_slice %arg9[%dma_wait3A_81, %dma_wait3A_82] : memref<512x32xf32, #tpu.memory_space<vmem>> -> memref<128x32xf32, #tpu.memory_space<vmem>>
    %dma_wait3A_84 = arith.constant 128 : i32
    %dma_wait3A_85 = tpu.memref_slice %arg7[%dma_wait3A_84] : memref<512xi32, #tpu.memory_space<vmem>> -> memref<128xi32, #tpu.memory_space<vmem>>
    %dma_wait3A_86 = arith.constant 0 : i32
    %dma_wait3A_87 = arith.constant 0 : i32
    %dma_wait3A_88 = tpu.memref_slice %arg4[%dma_wait3A_86, %dma_wait3A_87] : memref<1000000x32xf32, #tpu.memory_space<hbm>> -> memref<1000000x32xf32, #tpu.memory_space<hbm>>
    tpu.wait_indirect_dma semaphore(%arg11 : memref<!tpu.dma_semaphore, #tpu.memory_space<semaphore_mem>>) src(%dma_wait3A_88 : memref<1000000x32xf32, #tpu.memory_space<hbm>>) dst(%dma_wait3A_83 : memref<128x32xf32, #tpu.memory_space<vmem>>)
    %dma_wait3A_89 = arith.constant 128 : i32
    %dma_wait3A_90 = arith.constant 0 : i32
    %dma_wait3A_91 = tpu.memref_slice %arg10[%dma_wait3A_89, %dma_wait3A_90] : memref<512x32xf32, #tpu.memory_space<vmem>> -> memref<128x32xf32, #tpu.memory_space<vmem>>
    %dma_wait3A_92 = arith.constant 128 : i32
    %dma_wait3A_93 = tpu.memref_slice %arg8[%dma_wait3A_92] : memref<512xi32, #tpu.memory_space<vmem>> -> memref<128xi32, #tpu.memory_space<vmem>>
    %dma_wait3A_94 = arith.constant 0 : i32
    %dma_wait3A_95 = arith.constant 0 : i32
    %dma_wait3A_96 = tpu.memref_slice %arg5[%dma_wait3A_94, %dma_wait3A_95] : memref<1000000x32xf32, #tpu.memory_space<hbm>> -> memref<1000000x32xf32, #tpu.memory_space<hbm>>
    tpu.wait_indirect_dma semaphore(%arg12 : memref<!tpu.dma_semaphore, #tpu.memory_space<semaphore_mem>>) src(%dma_wait3A_96 : memref<1000000x32xf32, #tpu.memory_space<hbm>>) dst(%dma_wait3A_91 : memref<128x32xf32, #tpu.memory_space<vmem>>)
    %dma_wait3A_97 = arith.constant 256 : i32
    %dma_wait3A_98 = arith.constant 0 : i32
    %dma_wait3A_99 = tpu.memref_slice %arg9[%dma_wait3A_97, %dma_wait3A_98] : memref<512x32xf32, #tpu.memory_space<vmem>> -> memref<128x32xf32, #tpu.memory_space<vmem>>
    %dma_wait3A_100 = arith.constant 256 : i32
    %dma_wait3A_101 = tpu.memref_slice %arg7[%dma_wait3A_100] : memref<512xi32, #tpu.memory_space<vmem>> -> memref<128xi32, #tpu.memory_space<vmem>>
    %dma_wait3A_102 = arith.constant 0 : i32
    %dma_wait3A_103 = arith.constant 0 : i32
    %dma_wait3A_104 = tpu.memref_slice %arg4[%dma_wait3A_102, %dma_wait3A_103] : memref<1000000x32xf32, #tpu.memory_space<hbm>> -> memref<1000000x32xf32, #tpu.memory_space<hbm>>
    tpu.wait_indirect_dma semaphore(%arg11 : memref<!tpu.dma_semaphore, #tpu.memory_space<semaphore_mem>>) src(%dma_wait3A_104 : memref<1000000x32xf32, #tpu.memory_space<hbm>>) dst(%dma_wait3A_99 : memref<128x32xf32, #tpu.memory_space<vmem>>)
    %dma_wait3A_105 = arith.constant 256 : i32
    %dma_wait3A_106 = arith.constant 0 : i32
    %dma_wait3A_107 = tpu.memref_slice %arg10[%dma_wait3A_105, %dma_wait3A_106] : memref<512x32xf32, #tpu.memory_space<vmem>> -> memref<128x32xf32, #tpu.memory_space<vmem>>
    %dma_wait3A_108 = arith.constant 256 : i32
    %dma_wait3A_109 = tpu.memref_slice %arg8[%dma_wait3A_108] : memref<512xi32, #tpu.memory_space<vmem>> -> memref<128xi32, #tpu.memory_space<vmem>>
    %dma_wait3A_110 = arith.constant 0 : i32
    %dma_wait3A_111 = arith.constant 0 : i32
    %dma_wait3A_112 = tpu.memref_slice %arg5[%dma_wait3A_110, %dma_wait3A_111] : memref<1000000x32xf32, #tpu.memory_space<hbm>> -> memref<1000000x32xf32, #tpu.memory_space<hbm>>
    tpu.wait_indirect_dma semaphore(%arg12 : memref<!tpu.dma_semaphore, #tpu.memory_space<semaphore_mem>>) src(%dma_wait3A_112 : memref<1000000x32xf32, #tpu.memory_space<hbm>>) dst(%dma_wait3A_107 : memref<128x32xf32, #tpu.memory_space<vmem>>)
    %dma_wait3A_113 = arith.constant 384 : i32
    %dma_wait3A_114 = arith.constant 0 : i32
    %dma_wait3A_115 = tpu.memref_slice %arg9[%dma_wait3A_113, %dma_wait3A_114] : memref<512x32xf32, #tpu.memory_space<vmem>> -> memref<128x32xf32, #tpu.memory_space<vmem>>
    %dma_wait3A_116 = arith.constant 384 : i32
    %dma_wait3A_117 = tpu.memref_slice %arg7[%dma_wait3A_116] : memref<512xi32, #tpu.memory_space<vmem>> -> memref<128xi32, #tpu.memory_space<vmem>>
    %dma_wait3A_118 = arith.constant 0 : i32
    %dma_wait3A_119 = arith.constant 0 : i32
    %dma_wait3A_120 = tpu.memref_slice %arg4[%dma_wait3A_118, %dma_wait3A_119] : memref<1000000x32xf32, #tpu.memory_space<hbm>> -> memref<1000000x32xf32, #tpu.memory_space<hbm>>
    tpu.wait_indirect_dma semaphore(%arg11 : memref<!tpu.dma_semaphore, #tpu.memory_space<semaphore_mem>>) src(%dma_wait3A_120 : memref<1000000x32xf32, #tpu.memory_space<hbm>>) dst(%dma_wait3A_115 : memref<128x32xf32, #tpu.memory_space<vmem>>)
    %dma_wait3A_121 = arith.constant 384 : i32
    %dma_wait3A_122 = arith.constant 0 : i32
    %dma_wait3A_123 = tpu.memref_slice %arg10[%dma_wait3A_121, %dma_wait3A_122] : memref<512x32xf32, #tpu.memory_space<vmem>> -> memref<128x32xf32, #tpu.memory_space<vmem>>
    %dma_wait3A_124 = arith.constant 384 : i32
    %dma_wait3A_125 = tpu.memref_slice %arg8[%dma_wait3A_124] : memref<512xi32, #tpu.memory_space<vmem>> -> memref<128xi32, #tpu.memory_space<vmem>>
    %dma_wait3A_126 = arith.constant 0 : i32
    %dma_wait3A_127 = arith.constant 0 : i32
    %dma_wait3A_128 = tpu.memref_slice %arg5[%dma_wait3A_126, %dma_wait3A_127] : memref<1000000x32xf32, #tpu.memory_space<hbm>> -> memref<1000000x32xf32, #tpu.memory_space<hbm>>
    tpu.wait_indirect_dma semaphore(%arg12 : memref<!tpu.dma_semaphore, #tpu.memory_space<semaphore_mem>>) src(%dma_wait3A_128 : memref<1000000x32xf32, #tpu.memory_space<hbm>>) dst(%dma_wait3A_123 : memref<128x32xf32, #tpu.memory_space<vmem>>)
    %scan3A = arith.constant 0 : i32
    %scan3A_129 = arith.constant 0 : i32
    %scan3A_130 = arith.constant 512 : i32
    %scan3A_131 = arith.addi %scan3A_129, %scan3A_130 : i32
    %scan3A_132 = arith.constant 4 : i32
    scf.for %scan3A_134 = %scan3A_129 to %scan3A_131 step %scan3A_132  : i32 {
      %get3A = arith.index_cast %scan3A_134 : i32 to index
      %get3A_135 = arith.constant 0 : index
      %get3A_136 = tpu.vector_load %arg9[%get3A, %get3A_135] {strides = array<i32>} : memref<512x32xf32, #tpu.memory_space<vmem>>, vector<1x16xf32>,
      %get3A_137 = vector.shape_cast %get3A_136 : vector<1x16xf32> to vector<16xf32>
      %get3A_138 = arith.index_cast %scan3A_134 : i32 to index
      %get3A_139 = arith.constant 0 : index
      %get3A_140 = tpu.vector_load %arg10[%get3A_138, %get3A_139] {strides = array<i32>} : memref<512x32xf32, #tpu.memory_space<vmem>>, vector<1x16xf32>,
      %get3A_141 = vector.shape_cast %get3A_140 : vector<1x16xf32> to vector<16xf32>
      %mul3A_142 = arith.mulf %get3A_137, %get3A_141 : vector<16xf32>
      %swap3A = arith.index_cast %scan3A_134 : i32 to index
      %swap3A_143 = arith.constant 0 : index
      %swap3A_144 = tpu.vector_load %arg9[%swap3A, %swap3A_143] {strides = array<i32>} : memref<512x32xf32, #tpu.memory_space<vmem>>, vector<1x16xf32>,
      %swap3A_145 = vector.shape_cast %swap3A_144 : vector<1x16xf32> to vector<16xf32>
      %swap3A_146 = vector.shape_cast %mul3A_142 : vector<16xf32> to vector<1x16xf32>
      tpu.vector_store %arg9[%swap3A, %swap3A_143], %swap3A_146 {strides = array<i32>} : memref<512x32xf32, #tpu.memory_space<vmem>>, vector<1x16xf32>,
      %get3A_147 = arith.index_cast %scan3A_134 : i32 to index
      %get3A_148 = arith.constant 16 : index
      %get3A_149 = tpu.vector_load %arg9[%get3A_147, %get3A_148] {strides = array<i32>} : memref<512x32xf32, #tpu.memory_space<vmem>>, vector<1x16xf32>,
      %get3A_150 = vector.shape_cast %get3A_149 : vector<1x16xf32> to vector<16xf32>
      %get3A_151 = arith.index_cast %scan3A_134 : i32 to index
      %get3A_152 = arith.constant 16 : index
      %get3A_153 = tpu.vector_load %arg10[%get3A_151, %get3A_152] {strides = array<i32>} : memref<512x32xf32, #tpu.memory_space<vmem>>, vector<1x16xf32>,
      %get3A_154 = vector.shape_cast %get3A_153 : vector<1x16xf32> to vector<16xf32>
      %mul3A_155 = arith.mulf %get3A_150, %get3A_154 : vector<16xf32>
      %swap3A_156 = arith.index_cast %scan3A_134 : i32 to index
      %swap3A_157 = arith.constant 16 : index
      %swap3A_158 = tpu.vector_load %arg9[%swap3A_156, %swap3A_157] {strides = array<i32>} : memref<512x32xf32, #tpu.memory_space<vmem>>, vector<1x16xf32>,
      %swap3A_159 = vector.shape_cast %swap3A_158 : vector<1x16xf32> to vector<16xf32>
      %swap3A_160 = vector.shape_cast %mul3A_155 : vector<16xf32> to vector<1x16xf32>
      tpu.vector_store %arg9[%swap3A_156, %swap3A_157], %swap3A_160 {strides = array<i32>} : memref<512x32xf32, #tpu.memory_space<vmem>>, vector<1x16xf32>,
      %scan3A_161 = arith.constant 1 : i32
      %scan3A_162 = arith.addi %scan3A_134, %scan3A_161 : i32
      %get3A_163 = arith.index_cast %scan3A_162 : i32 to index
      %get3A_164 = arith.constant 0 : index
      %get3A_165 = tpu.vector_load %arg9[%get3A_163, %get3A_164] {strides = array<i32>} : memref<512x32xf32, #tpu.memory_space<vmem>>, vector<1x16xf32>,
      %get3A_166 = vector.shape_cast %get3A_165 : vector<1x16xf32> to vector<16xf32>
      %get3A_167 = arith.index_cast %scan3A_162 : i32 to index
      %get3A_168 = arith.constant 0 : index
      %get3A_169 = tpu.vector_load %arg10[%get3A_167, %get3A_168] {strides = array<i32>} : memref<512x32xf32, #tpu.memory_space<vmem>>, vector<1x16xf32>,
      %get3A_170 = vector.shape_cast %get3A_169 : vector<1x16xf32> to vector<16xf32>
      %mul3A_171 = arith.mulf %get3A_166, %get3A_170 : vector<16xf32>
      %swap3A_172 = arith.index_cast %scan3A_162 : i32 to index
      %swap3A_173 = arith.constant 0 : index
      %swap3A_174 = tpu.vector_load %arg9[%swap3A_172, %swap3A_173] {strides = array<i32>} : memref<512x32xf32, #tpu.memory_space<vmem>>, vector<1x16xf32>,
      %swap3A_175 = vector.shape_cast %swap3A_174 : vector<1x16xf32> to vector<16xf32>
      %swap3A_176 = vector.shape_cast %mul3A_171 : vector<16xf32> to vector<1x16xf32>
      tpu.vector_store %arg9[%swap3A_172, %swap3A_173], %swap3A_176 {strides = array<i32>} : memref<512x32xf32, #tpu.memory_space<vmem>>, vector<1x16xf32>,
      %get3A_177 = arith.index_cast %scan3A_162 : i32 to index
      %get3A_178 = arith.constant 16 : index
      %get3A_179 = tpu.vector_load %arg9[%get3A_177, %get3A_178] {strides = array<i32>} : memref<512x32xf32, #tpu.memory_space<vmem>>, vector<1x16xf32>,
      %get3A_180 = vector.shape_cast %get3A_179 : vector<1x16xf32> to vector<16xf32>
      %get3A_181 = arith.index_cast %scan3A_162 : i32 to index
      %get3A_182 = arith.constant 16 : index
      %get3A_183 = tpu.vector_load %arg10[%get3A_181, %get3A_182] {strides = array<i32>} : memref<512x32xf32, #tpu.memory_space<vmem>>, vector<1x16xf32>,
      %get3A_184 = vector.shape_cast %get3A_183 : vector<1x16xf32> to vector<16xf32>
      %mul3A_185 = arith.mulf %get3A_180, %get3A_184 : vector<16xf32>
      %swap3A_186 = arith.index_cast %scan3A_162 : i32 to index
      %swap3A_187 = arith.constant 16 : index
      %swap3A_188 = tpu.vector_load %arg9[%swap3A_186, %swap3A_187] {strides = array<i32>} : memref<512x32xf32, #tpu.memory_space<vmem>>, vector<1x16xf32>,
      %swap3A_189 = vector.shape_cast %swap3A_188 : vector<1x16xf32> to vector<16xf32>
      %swap3A_190 = vector.shape_cast %mul3A_185 : vector<16xf32> to vector<1x16xf32>
      tpu.vector_store %arg9[%swap3A_186, %swap3A_187], %swap3A_190 {strides = array<i32>} : memref<512x32xf32, #tpu.memory_space<vmem>>, vector<1x16xf32>,
      %scan3A_191 = arith.constant 2 : i32
      %scan3A_192 = arith.addi %scan3A_134, %scan3A_191 : i32
      %get3A_193 = arith.index_cast %scan3A_192 : i32 to index
      %get3A_194 = arith.constant 0 : index
      %get3A_195 = tpu.vector_load %arg9[%get3A_193, %get3A_194] {strides = array<i32>} : memref<512x32xf32, #tpu.memory_space<vmem>>, vector<1x16xf32>,
      %get3A_196 = vector.shape_cast %get3A_195 : vector<1x16xf32> to vector<16xf32>
      %get3A_197 = arith.index_cast %scan3A_192 : i32 to index
      %get3A_198 = arith.constant 0 : index
      %get3A_199 = tpu.vector_load %arg10[%get3A_197, %get3A_198] {strides = array<i32>} : memref<512x32xf32, #tpu.memory_space<vmem>>, vector<1x16xf32>,
      %get3A_200 = vector.shape_cast %get3A_199 : vector<1x16xf32> to vector<16xf32>
      %mul3A_201 = arith.mulf %get3A_196, %get3A_200 : vector<16xf32>
      %swap3A_202 = arith.index_cast %scan3A_192 : i32 to index
      %swap3A_203 = arith.constant 0 : index
      %swap3A_204 = tpu.vector_load %arg9[%swap3A_202, %swap3A_203] {strides = array<i32>} : memref<512x32xf32, #tpu.memory_space<vmem>>, vector<1x16xf32>,
      %swap3A_205 = vector.shape_cast %swap3A_204 : vector<1x16xf32> to vector<16xf32>
      %swap3A_206 = vector.shape_cast %mul3A_201 : vector<16xf32> to vector<1x16xf32>
      tpu.vector_store %arg9[%swap3A_202, %swap3A_203], %swap3A_206 {strides = array<i32>} : memref<512x32xf32, #tpu.memory_space<vmem>>, vector<1x16xf32>,
      %get3A_207 = arith.index_cast %scan3A_192 : i32 to index
      %get3A_208 = arith.constant 16 : index
      %get3A_209 = tpu.vector_load %arg9[%get3A_207, %get3A_208] {strides = array<i32>} : memref<512x32xf32, #tpu.memory_space<vmem>>, vector<1x16xf32>,
      %get3A_210 = vector.shape_cast %get3A_209 : vector<1x16xf32> to vector<16xf32>
      %get3A_211 = arith.index_cast %scan3A_192 : i32 to index
      %get3A_212 = arith.constant 16 : index
      %get3A_213 = tpu.vector_load %arg10[%get3A_211, %get3A_212] {strides = array<i32>} : memref<512x32xf32, #tpu.memory_space<vmem>>, vector<1x16xf32>,
      %get3A_214 = vector.shape_cast %get3A_213 : vector<1x16xf32> to vector<16xf32>
      %mul3A_215 = arith.mulf %get3A_210, %get3A_214 : vector<16xf32>
      %swap3A_216 = arith.index_cast %scan3A_192 : i32 to index
      %swap3A_217 = arith.constant 16 : index
      %swap3A_218 = tpu.vector_load %arg9[%swap3A_216, %swap3A_217] {strides = array<i32>} : memref<512x32xf32, #tpu.memory_space<vmem>>, vector<1x16xf32>,
      %swap3A_219 = vector.shape_cast %swap3A_218 : vector<1x16xf32> to vector<16xf32>
      %swap3A_220 = vector.shape_cast %mul3A_215 : vector<16xf32> to vector<1x16xf32>
      tpu.vector_store %arg9[%swap3A_216, %swap3A_217], %swap3A_220 {strides = array<i32>} : memref<512x32xf32, #tpu.memory_space<vmem>>, vector<1x16xf32>,
      %scan3A_221 = arith.constant 3 : i32
      %scan3A_222 = arith.addi %scan3A_134, %scan3A_221 : i32
      %get3A_223 = arith.index_cast %scan3A_222 : i32 to index
      %get3A_224 = arith.constant 0 : index
      %get3A_225 = tpu.vector_load %arg9[%get3A_223, %get3A_224] {strides = array<i32>} : memref<512x32xf32, #tpu.memory_space<vmem>>, vector<1x16xf32>,
      %get3A_226 = vector.shape_cast %get3A_225 : vector<1x16xf32> to vector<16xf32>
      %get3A_227 = arith.index_cast %scan3A_222 : i32 to index
      %get3A_228 = arith.constant 0 : index
      %get3A_229 = tpu.vector_load %arg10[%get3A_227, %get3A_228] {strides = array<i32>} : memref<512x32xf32, #tpu.memory_space<vmem>>, vector<1x16xf32>,
      %get3A_230 = vector.shape_cast %get3A_229 : vector<1x16xf32> to vector<16xf32>
      %mul3A_231 = arith.mulf %get3A_226, %get3A_230 : vector<16xf32>
      %swap3A_232 = arith.index_cast %scan3A_222 : i32 to index
      %swap3A_233 = arith.constant 0 : index
      %swap3A_234 = tpu.vector_load %arg9[%swap3A_232, %swap3A_233] {strides = array<i32>} : memref<512x32xf32, #tpu.memory_space<vmem>>, vector<1x16xf32>,
      %swap3A_235 = vector.shape_cast %swap3A_234 : vector<1x16xf32> to vector<16xf32>
      %swap3A_236 = vector.shape_cast %mul3A_231 : vector<16xf32> to vector<1x16xf32>
      tpu.vector_store %arg9[%swap3A_232, %swap3A_233], %swap3A_236 {strides = array<i32>} : memref<512x32xf32, #tpu.memory_space<vmem>>, vector<1x16xf32>,
      %get3A_237 = arith.index_cast %scan3A_222 : i32 to index
      %get3A_238 = arith.constant 16 : index
      %get3A_239 = tpu.vector_load %arg9[%get3A_237, %get3A_238] {strides = array<i32>} : memref<512x32xf32, #tpu.memory_space<vmem>>, vector<1x16xf32>,
      %get3A_240 = vector.shape_cast %get3A_239 : vector<1x16xf32> to vector<16xf32>
      %get3A_241 = arith.index_cast %scan3A_222 : i32 to index
      %get3A_242 = arith.constant 16 : index
      %get3A_243 = tpu.vector_load %arg10[%get3A_241, %get3A_242] {strides = array<i32>} : memref<512x32xf32, #tpu.memory_space<vmem>>, vector<1x16xf32>,
      %get3A_244 = vector.shape_cast %get3A_243 : vector<1x16xf32> to vector<16xf32>
      %mul3A_245 = arith.mulf %get3A_240, %get3A_244 : vector<16xf32>
      %swap3A_246 = arith.index_cast %scan3A_222 : i32 to index
      %swap3A_247 = arith.constant 16 : index
      %swap3A_248 = tpu.vector_load %arg9[%swap3A_246, %swap3A_247] {strides = array<i32>} : memref<512x32xf32, #tpu.memory_space<vmem>>, vector<1x16xf32>,
      %swap3A_249 = vector.shape_cast %swap3A_248 : vector<1x16xf32> to vector<16xf32>
      %swap3A_250 = vector.shape_cast %mul3A_245 : vector<16xf32> to vector<1x16xf32>
      tpu.vector_store %arg9[%swap3A_246, %swap3A_247], %swap3A_250 {strides = array<i32>} : memref<512x32xf32, #tpu.memory_space<vmem>>, vector<1x16xf32>,
    }
    %scan3A_133 = arith.constant 512 : i32
    "tpu.region"() ({
      %run_scoped3A = tpu.sem_alloc : memref<!tpu.dma_semaphore, #tpu.memory_space<semaphore_mem>>
      %dma_start3A_134 = arith.constant 0 : i32
      %dma_start3A_135 = tpu.memref_slice %arg6[%mul3A_2, %dma_start3A_134] : memref<16384x32xf32, #tpu.memory_space<hbm>> -> memref<512x32xf32, #tpu.memory_space<hbm>>
      %dma_start3A_136 = arith.constant 0 : i32
      %dma_start3A_137 = tpu.memref_slice %arg6[%mul3A_2, %dma_start3A_136] : memref<16384x32xf32, #tpu.memory_space<hbm>> -> memref<512x32xf32, #tpu.memory_space<hbm>>
      tpu.enqueue_dma source(%arg9 : memref<512x32xf32, #tpu.memory_space<vmem>>) target(%dma_start3A_137 : memref<512x32xf32, #tpu.memory_space<hbm>>) target_semaphore(%run_scoped3A : memref<!tpu.dma_semaphore, #tpu.memory_space<semaphore_mem>>)
      %dma_wait3A_138 = arith.constant 0 : i32
      %dma_wait3A_139 = tpu.memref_slice %arg6[%mul3A_2, %dma_wait3A_138] : memref<16384x32xf32, #tpu.memory_space<hbm>> -> memref<512x32xf32, #tpu.memory_space<hbm>>
      %dma_wait3A_140 = arith.constant 0 : i32
      %dma_wait3A_141 = tpu.memref_slice %arg6[%mul3A_2, %dma_wait3A_140] : memref<16384x32xf32, #tpu.memory_space<hbm>> -> memref<512x32xf32, #tpu.memory_space<hbm>>
      tpu.wait_dma2 semaphore(%run_scoped3A : memref<!tpu.dma_semaphore, #tpu.memory_space<semaphore_mem>>) src(%arg9 : memref<512x32xf32, #tpu.memory_space<vmem>>) dst(%dma_wait3A_141 : memref<512x32xf32, #tpu.memory_space<hbm>>)
      tpu.yield
    }) : () -> ()
    return
  }
}

</mosaic_0001>

<sc_bundles>
// kernel: kernel.3.cloned.1.call-start
scs
__scs_entry_jumppad:
0x0: {  	(pc) =	sbr.rel $0x88, $3  }
0x1: {  	(tag) =	ssettag $0x0;
	lr =	simm.s32 $0x1  }
0x2: {  	[smem:$0x3F9D] =	sst lr;
	_ =	strace $0xD0000000  }
0x3: {  	_ = 	snop  }
0x4: {  	_ = 	snop  }
0x5: {  	_ = 	snop  }
0x6: {  	_ = 	snop  }
0x7: {  	_ = 	snop  }
__scs_overlays_trampoline_lowered:
0x8: {  	[smem:$0x3FAC] =	sst s0  }
0x9: {  	[smem:$0x3FAD] =	sst s1  }
0xa: {  	[smem:$0x3FAE] =	sst s2  }
0xb: {  	[smem:$0x3FAF] =	sst s3  }
0xc: {  	[smem:$0x3FB0] =	sst s4  }
0xd: {  	[smem:$0x3FB1] =	sst s5  }
0xe: {  	[smem:$0x3FB2] =	sst s6  }
0xf: {  	[smem:$0x3FB3] =	sst s7  }
0x10: {  	[smem:$0x3FB4] =	sst s8  }
0x11: {  	[smem:$0x3FB5] =	sst s9;
	s0 =	simm.s32 @!p0 $0x0  }
0x12: {  	s1 =	sld [smem:$0x3F9B];
	s0 =	simm.s32 @p0 $0x1  }
0x13: {  	[smem:$0x3FB6] =	sst s0;
	s0 =	simm.s32 @!p1 $0x0  }
0x14: {  	s2 =	sld [smem:$0x3F9A];
	s0 =	simm.s32 @p1 $0x1  }
0x15: {  	[smem:$0x3FB7] =	sst s0;
	s0 =	simm.s32 @!p2 $0x0  }
0x16: {  	s3 =	sld [smem:$0x3FDB];
	s0 =	simm.s32 @p2 $0x1  }
0x17: {  	s4 =	simm.s32 $0x1BF5;
	[smem:$0x3FB9] =	sst s0  }
0x18: {  	s0 =	sld [smem:$0x3F9C];
	_ =	swait.ge [sflag:s4], $0x0  }
0x19: {  	s7 =	sld [smem:$0x3F9D]  }
0x1a: {  	s8 =	sadd.s32 $0xFFFFE003, lr  }
0x1b: {  	s9 =	sadd.s32 $0xFFFFFEF7, lr;
	s5 =	simm.s32 $0xFFFFFFFF;
	p2 =	slt.u32 s8, $0xFFFFF086  }
0x1c: {  	p1 =	slt.u32 s9, $0xF7A;
	s5 =	simm.s32 @!p2 $0x0  }
0x1d: {  	s5 =	simm.s32 @p1 $0x1;
	p0 =	seq.s32 s7, s2  }
0x1e: {  	s7 =	smul.u32 @!p0 $0xF7A, s2;
	p2 =	seq.s32 @!p0 s5, $0x0  }
0x1f: {  	s9 =	smul.u32 $0xF7A, s1;
	s8 =	simm.s32 @!p0 $0x1BF5;
	p2 =	por !p2, p0  }
0x20: {  	[sflag:s8] =	ssyncset.s32 @!p0 $0xFFFFF086;
	s6 =	sadd.s32 @!p0 s3, s7;
	s7 =	simm.s32 @!p0 $0x108  }
0x21: {  	s3 =	sadd.s32 s3, s9;
	s6 =	sadd.s32 @!p0 $0x88, s6;
	s7 =	simm.s32 @p2 $0x1082  }
0x22: {  	[simem:s7], [sflag:s8] =	dma.local @!p0 [hbm:s6], $0xF7A  }
0x23: {  	s9 =	sor.u32 $0xD0000000, s2;
	s6 =	simm.s32 $0x108;
	_ =	swait.ge @!p0 [sflag:s8], $0x0  }
0x24: {  	s3 =	sadd.s32 $0x88, s3;
	s6 =	simm.s32 @!p1 $0x1082;
	[sflag:s4] =	ssyncset.s32 $0xFFFFF086  }
0x25: {  	[simem:s6], [sflag:s4] =	dma.local [hbm:s3], $0xF7A  }
0x26: {  	[smem:$0x3F9D] =	sst s1;
	(tag) =	ssettag s2;
	_ =	strace s9  }
0x27: {  	s1 =	sld [smem:$0x3FAD]  }
0x28: {  	s2 =	sld [smem:$0x3FAE]  }
0x29: {  	s4 =	sld [smem:$0x3FB0]  }
0x2a: {  	p0 =	seq.s32 s5, $0x0;
	s5 =	sld [smem:$0x3FB1]  }
0x2b: {  	s6 =	sld [smem:$0x3FB2]  }
0x2c: {  	s7 =	sld [smem:$0x3FB3]  }
0x2d: {  	s3 =	simm.s32 $0x108;
	s8 =	sld [smem:$0x3FB4]  }
0x2e: {  	s3 =	simm.s32 @!p0 $0x1082;
	s9 =	sld [smem:$0x3FB5]  }
0x2f: {  	lr =	sadd.s32 s0, s3;
	s0 =	sld [smem:$0x3FAC]  }
0x30: {  	s3 =	sld [smem:$0x3FAF]  }
0x31: {  	[smem:$0x3FB8] =	sst s10  }
0x32: {  	s10 =	sld [smem:$0x3FB6];
	_ =	sdelay $0x3  }
0x33: {  	p0 =	seq.s32 s10, $0x1;
	s10 =	sld [smem:$0x3FB8];
	_ =	sdelay $0x3  }
0x34: {  	[smem:$0x3FB8] =	sst s10  }
0x35: {  	s10 =	sld [smem:$0x3FB7];
	_ =	sdelay $0x3  }
0x36: {  	p1 =	seq.s32 s10, $0x1;
	s10 =	sld [smem:$0x3FB8];
	_ =	sdelay $0x3  }
0x37: {  	[smem:$0x3FB8] =	sst s10  }
0x38: {  	s10 =	sld [smem:$0x3FB9]  }
0x39: {  	_ = 	snop;
	(pc) =	sbr.ind lr, $3  }
0x3a: {  	_ = 	snop  }
0x3b: {  	_ = 	snop  }
0x3c: {  	p2 =	seq.s32 s10, $0x1;
	s10 =	sld [smem:$0x3FB8]  }
0x3d: {  	_ =	shalt  }
0x3e: {  	_ =	shalt  }
0x3f: {  	_ =	shalt  }
0x40: {  	_ =	shalt  }
0x41: {  	_ =	shalt  }
0x42: {  	_ =	shalt  }
0x43: {  	_ =	shalt  }
0x44: {  	_ =	shalt  }
0x45: {  	_ =	shalt  }
0x46: {  	_ =	shalt  }
0x47: {  	_ =	shalt  }
0x48: {  	_ =	shalt  }
0x49: {  	_ =	shalt  }
0x4a: {  	_ =	shalt  }
0x4b: {  	_ =	shalt  }
0x4c: {  	_ =	shalt  }
0x4d: {  	_ =	shalt  }
0x4e: {  	_ =	shalt  }
0x4f: {  	_ =	shalt  }
0x50: {  	_ =	shalt  }
0x51: {  	_ =	shalt  }
0x52: {  	_ =	shalt  }
0x53: {  	_ =	shalt  }
0x54: {  	_ =	shalt  }
0x55: {  	_ =	shalt  }
0x56: {  	_ =	shalt  }
0x57: {  	_ =	shalt  }
0x58: {  	_ =	shalt  }
0x59: {  	_ =	shalt  }
0x5a: {  	_ =	shalt  }
0x5b: {  	_ =	shalt  }
0x5c: {  	_ =	shalt  }
0x5d: {  	_ =	shalt  }
0x5e: {  	_ =	shalt  }
0x5f: {  	_ =	shalt  }
0x60: {  	_ =	shalt  }
0x61: {  	_ =	shalt  }
0x62: {  	_ =	shalt  }
0x63: {  	_ =	shalt  }
0x64: {  	_ =	shalt  }
0x65: {  	_ =	shalt  }
0x66: {  	_ =	shalt  }
0x67: {  	_ =	shalt  }
0x68: {  	_ =	shalt  }
0x69: {  	_ =	shalt  }
0x6a: {  	_ =	shalt  }
0x6b: {  	_ =	shalt  }
0x6c: {  	_ =	shalt  }
0x6d: {  	_ =	shalt  }
0x6e: {  	_ =	shalt  }
0x6f: {  	_ =	shalt  }
0x70: {  	_ =	shalt  }
0x71: {  	_ =	shalt  }
0x72: {  	_ =	shalt  }
0x73: {  	_ =	shalt  }
0x74: {  	_ =	shalt  }
0x75: {  	_ =	shalt  }
0x76: {  	_ =	shalt  }
0x77: {  	_ =	shalt  }
0x78: {  	_ =	shalt  }
0x79: {  	_ =	shalt  }
0x7a: {  	_ =	shalt  }
0x7b: {  	_ =	shalt  }
0x7c: {  	_ =	shalt  }
0x7d: {  	_ =	shalt  }
0x7e: {  	_ =	shalt  }
0x7f: {  	_ =	shalt  }
0x80: {  	_ =	shalt  }
0x81: {  	_ =	shalt  }
0x82: {  	_ =	shalt  }
0x83: {  	_ =	shalt  }
0x84: {  	_ =	shalt  }
0x85: {  	_ =	shalt  }
0x86: {  	_ =	shalt  }
0x87: {  	_ =	shalt  }
.Lfunc_end0:
.L_simem_size_0:
called_computation_lowered:
.L_overlay_start_0:
0x88: {  	s2 =	sld [smem:$0x3FD9]  }
0x89: {  	s3 =	sld [smem:$0x3FFE];
	_ =	sdelay $0x1  }
0x8a: {  	s1 =	srdreg.scid  }
0x8b: {  	s0 =	sand.u32 $0x1, s1  }
0x8c: {  	s17 =	sshll.u32 s0, $0xA;
	s2 =	sadd.s32 s3, s2  }
0x8d: {  	s2 =	sadd.s32 s2, s17  }
0x8e: {  	[smem:$0x3FC4] =	sst s2  }
0x8f: {  	_ = 	snop  }
0x90: {  	s2 =	sld [smem:$0x3FC9]  }
0x91: {  	s18 =	sld [smem:$0x3FC8]  }
0x92: {  	s4 =	sld [smem:$0x3FD0];
	(tm) =	ssettm $0x1  }
0x93: {  	s5 =	sld [smem:$0x3FFB];
	_ =	sdelay $0x3  }
0x94: {  	_ =	strace s5  }
0x95: {  	s5 =	sld [smem:$0x3FFC];
	_ =	sdelay $0x3  }
0x96: {  	_ =	strace s5  }
0x97: {  	s5 =	sld [smem:$0x3FFD];
	_ =	sdelay $0x3  }
0x98: {  	_ =	strace s5  }
0x99: {  	_ =	strace $0x8FFFFFFF  }
0x9a: {  	s19 =	sld [smem:$0x3FDB];
	_ =	sdelay $0x1  }
0x9b: {  	s6 =	simm.s32 $_scs_section_size  }
0x9c: {  	s7 =	simm.s32 $_size__tile_overlayer_lowered;
	s8 =	simm.s32 $_tile_overlayer_lowered  }
0x9d: {  	s22 =	simm.s32 $0x1BFF;
	s21 =	sshll.u32 s8, $0x1;
	s5 =	sadd.s32 s6, s19  }
0x9e: {  	s9 =	simm.s32 $0x0;
	s20 =	sshll.u32 s7, $0x1;
	s7 =	sadd.s32 s21, s5  }
0x9f: {  	[timem:s9], [sflag:s22] =	dma.local [hbm:s7], s20  }
0xa0: {  	_ =	swait.ge [sflag:s22], s20  }
0xa1: {  	s6 =	ssub.s32 $0x0, s20;
	[sflag:s22] =	ssyncset.done $0x0  }
0xa2: {  	[sflag:s22] =	ssyncadd.s32 s6;
	_ =	sdelay $0x1  }
0xa3: {  	s23 =	simm.s32 $0x1B8B  }
0xa4: {  	_ =	swait.ge [sflag:s23], $0x1  }
0xa5: {  	[sflag:s23] =	ssyncset.done $0x0  }
0xa6: {  	s25 =	simm.s32 $0x1B8E;
	s24 =	sld [smem:$0x3FFE];
	[sflag:s23] =	ssyncadd.s32 $0xFFFFFFFF  }
0xa7: {  	s26 =	simm.s32 $execute0_lowered;
	[smem:$0x3FD2] =	sst s25  }
0xa8: {  	s7 =	sshll.u32 s26, $0x1;
	_ =	strace $0x80000046;
	[dreg:$0x1] =	wrdreg $0xFFFFFFFF  }
0xa9: {  	s28 =	simm.s32 $_size_execute0_lowered;
	s5 =	sadd.s32 s5, s7;
	[dreg:$0x0] =	wrdreg $0x0  }
0xaa: {  	s7 =	sshll.u32 s28, $0x1;
	[dreg:$0x2] =	wrdreg s5  }
0xab: {  	[dreg:$0x3] =	wrdreg s7  }
0xac: {  	[dreg:$0x4] =	wrdreg $0xC0  }
0xad: {  	_ =	task [dreg:s9], $0x5FFFF  }
0xae: {  	[dreg:$0x1] =	wrdreg $0xFFFFFFFF  }
0xaf: {  	[dreg:$0x0] =	wrdreg $0x60  }
0xb0: {  	[dreg:$0x2] =	wrdreg s2  }
0xb1: {  	[dreg:$0x3] =	wrdreg s18  }
0xb2: {  	[dreg:$0x4] =	wrdreg s24  }
0xb3: {  	[dreg:$0x5] =	wrdreg s4  }
0xb4: {  	[dreg:$0x6] =	wrdreg $0x9  }
0xb5: {  	_ =	task.clear_ibuf [dreg:s9], $0x7FFFF;
	_ =	strace $0x90000046  }
0xb6: {  	s29 =	simm.s32 $0x9;
	_ =	strace $0x80000048  }
0xb7: {  	_ =	swait.ge [sflag:s29], $0x1  }
0xb8: {  	[sflag:s29] =	ssyncadd.s32 $0xFFFFFFFF  }
0xb9: {  	_ =	strace $0x90000048  }
0xba: {  	_ =	sfence  }
0xbb: {  	s30 =	sld [smem:$0x0];
	_ =	sdelay $0x2  }
0xbc: {  	s31 =	sshll.u32 s1, $0xD;
	s1 =	sshrl.u32 s1, $0x2  }
0xbd: {  	s3 =	sand.u32 $0x4000, s31;
	s1 =	sadd.s32 s1, s30  }
0xbe: {  	s0 =	sor.u32 s3, s0;
	s1 =	sshll.u32 s1, $0x11  }
0xbf: {  	s0 =	sor.u32 s1, s0  }
0xc0: {  	s0 =	sadd.s32 $0x8F2B, s0  }
0xc1: {  	[sflag:s0] =	ssyncadd.remote.s32 $0x1  }
0xc2: {  	_ =	sfence.sel $0xFFFF  }
0xc3: {  	[dreg:$0x0] =	wrdreg $0xFFFFFFFF;
	(pc) =	sbr.abs _section_cstart, $3  }
0xc4: {  	[dreg:$0x1] =	wrdreg $0xFFFFFFFF  }
0xc5: {  	_ =	task.clear_ibuf [dreg:s9], $0x2FFFF;
	_ =	strace $0x9FFFFFFF  }
0xc6: {  	(tm) =	ssettm $0x7FFFFFFF  }
0xc7: {  	_ =	shalt  }
tec
execute0_lowered:
.L_overlay_start_1:
0x0: {  	(tag) =	ssettag $0x1  }
0x1: {  	s0 =	rddreg [dreg:$0x0]  }
0x2: {  	s6 =	rddreg [dreg:$0x1]  }
0x3: {  	s4 =	rddreg [dreg:$0x2]  }
0x4: {  	s7 =	rddreg [dreg:$0x3]  }
0x5: {  	s2 =	simm.s32 $0x0;
	s3 =	srdreg.scid;
	s1 =	stileid.u32  }
0x6: {  	s11 =	simm.s32 $0x80;
	s12 =	simm.s32 $0x400;
	s13 =	simm.s32 $0x4400  }
0x7: {  	s14 =	simm.s32 $0x1400;
	s15 =	simm.s32 $0x280;
	s16 =	simm.s32 $0x5400  }
0x8: {  	s17 =	simm.s32 $0x100;
	s18 =	simm.s32 $0x2400;
	s19 =	simm.s32 $0x300  }
0x9: {  	s20 =	simm.s32 $0x6400;
	s21 =	simm.s32 $0x180;
	s22 =	simm.s32 $0x3400  }
0xa: {  	s23 =	simm.s32 $0x380;
	s24 =	simm.s32 $0x7400;
	s25 =	simm.s32 $0x1  }
0xb: {  	s26 =	simm.s32 $0x2;
	s28 =	simm.s32 $0x0;
	[smem:$0x7FF] =	sst s2  }
0xc: {  	s3 =	sand.u32 $0x1, s3;
	s8 =	sshll.u32 s1, $0xA;
	_ =	strace $0x80000047  }
0xd: {  	s5 =	ssub.s32 $0x2, s3;
	s9 =	sshll.u32 s3, $0x9;
	s3 =	sadd.s32 $0x1313200, s4  }
0xe: {  	s4 =	sadd.s32 $0xF42800, s4;
	s10 =	sshrl.u32 s5, $0x1;
	s8 =	sor.u32 s9, s8  }
0xf: {  	s9 =	simm.s32 $0x3;
	s29 =	ssub.s32 s5, s10;
	s30 =	sshrl.u32 s8, $0x3  }
0x10: {  	s31 =	sshll.u32 s8, $0x2;
	s10 =	simm.s32 $0x200;
	s5 =	sadd.s32 s0, s30  }
0x11: {  	s6 =	sadd.s32 s6, s30;
	s7 =	sadd.s32 s7, s31;
	s8 =	smax.u32 s29, $0x1  }
.LBB2_1:
0x12: {  	[tilespmem:s2], [sflag:$0x3] =	stream.linear.gather [hbm4b:s5+s2], $0x200, $0x38;
	[tilespmem:$0x8400] =	vst v63  }
0x13: {  	_ =	swait.ge [sflag:s9], $0x200  }
0x14: {  	[sflag:s9] =	ssyncset.done $0x0  }
0x15: {  	[sflag:s9] =	ssyncadd.s32 $0xFFFFFE00  }
0x16: {  	[tilespmem:s10], [sflag:$0x3] =	stream.linear.gather [hbm4b:s6+s2], $0x200, $0x38;
	[tilespmem:$0x8400] =	vst v63  }
0x17: {  	_ =	swait.ge [sflag:s9], $0x200  }
0x18: {  	[sflag:s9] =	ssyncset.done $0x0  }
0x19: {  	[sflag:s9] =	ssyncadd.s32 $0xFFFFFE00  }
0x1a: {  	[tilespmem:s12], [sflag:$0x1] =	stream.indirect.gather [hbm4b:s3+s11], $0x20, s2, s11, $0xb8;
	[tilespmem:$0x8400] =	vst v63  }
0x1b: {  	_ = 	snop  }
0x1c: {  	[tilespmem:s13], [sflag:$0x2] =	stream.indirect.gather [hbm4b:s4+s11], $0x20, s10, s11, $0xb8;
	[tilespmem:$0x8400] =	vst v63  }
0x1d: {  	_ = 	snop  }
0x1e: {  	[tilespmem:s14], [sflag:$0x1] =	stream.indirect.gather [hbm4b:s3+s11], $0x20, s11, s11, $0xb8;
	[tilespmem:$0x8400] =	vst v63  }
0x1f: {  	_ = 	snop  }
0x20: {  	[tilespmem:s16], [sflag:$0x2] =	stream.indirect.gather [hbm4b:s4+s11], $0x20, s15, s11, $0xb8;
	[tilespmem:$0x8400] =	vst v63  }
0x21: {  	_ = 	snop  }
0x22: {  	[tilespmem:s18], [sflag:$0x1] =	stream.indirect.gather [hbm4b:s3+s11], $0x20, s17, s11, $0xb8;
	[tilespmem:$0x8400] =	vst v63  }
0x23: {  	_ = 	snop  }
0x24: {  	[tilespmem:s20], [sflag:$0x2] =	stream.indirect.gather [hbm4b:s4+s11], $0x20, s19, s11, $0xb8;
	[tilespmem:$0x8400] =	vst v63  }
0x25: {  	_ = 	snop  }
0x26: {  	[tilespmem:s22], [sflag:$0x1] =	stream.indirect.gather [hbm4b:s3+s11], $0x20, s21, s11, $0xb8;
	[tilespmem:$0x8400] =	vst v63  }
0x27: {  	_ = 	snop  }
0x28: {  	[tilespmem:s24], [sflag:$0x2] =	stream.indirect.gather [hbm4b:s4+s11], $0x20, s23, s11, $0xb8;
	[tilespmem:$0x8400] =	vst v63  }
0x29: {  	_ =	swait.ge [sflag:s25], $0x1000  }
0x2a: {  	[sflag:s25] =	ssyncset.done $0x0  }
0x2b: {  	[sflag:s25] =	ssyncadd.s32 $0xFFFFF000  }
0x2c: {  	_ =	swait.ge [sflag:s26], $0x1000  }
0x2d: {  	[sflag:s26] =	ssyncset.done $0x0  }
0x2e: {  	[sflag:s26] =	ssyncadd.s32 $0xFFFFF000  }
0x2f: {  	_ =	swait.ge [sflag:s25], $0x1000  }
0x30: {  	[sflag:s25] =	ssyncset.done $0x0  }
0x31: {  	[sflag:s25] =	ssyncadd.s32 $0xFFFFF000  }
0x32: {  	_ =	swait.ge [sflag:s26], $0x1000  }
0x33: {  	[sflag:s26] =	ssyncset.done $0x0  }
0x34: {  	[sflag:s26] =	ssyncadd.s32 $0xFFFFF000  }
0x35: {  	_ =	swait.ge [sflag:s25], $0x1000  }
0x36: {  	[sflag:s25] =	ssyncset.done $0x0  }
0x37: {  	[sflag:s25] =	ssyncadd.s32 $0xFFFFF000  }
0x38: {  	_ =	swait.ge [sflag:s26], $0x1000  }
0x39: {  	[sflag:s26] =	ssyncset.done $0x0  }
0x3a: {  	[sflag:s26] =	ssyncadd.s32 $0xFFFFF000  }
0x3b: {  	_ =	swait.ge [sflag:s25], $0x1000  }
0x3c: {  	[sflag:s25] =	ssyncset.done $0x0  }
0x3d: {  	[sflag:s25] =	ssyncadd.s32 $0xFFFFF000  }
0x3e: {  	_ =	swait.ge [sflag:s26], $0x1000  }
0x3f: {  	[sflag:s26] =	ssyncset.done $0x0  }
0x40: {  	s29 =	simm.s32 $0x440;
	[sflag:s26] =	ssyncadd.s32 $0xFFFFF000  }
0x41: {  	s30 =	simm.s32 $0x4440;
	v0 =	vld [tilespmem:s29+$0xFFFFFFC0]  }
0x42: {  	v1 =	vld [tilespmem:s30+$0xFFFFFFC0];
	_ =	sdelay $0x4  }
0x43: {  	v0 =	vmul.f32 v1, v0;
	_ =	sdelay $0x1  }
0x44: {  	[tilespmem:s29+$0xFFFFFFC0] =	vst v0;
	v0 =	vld [tilespmem:s29+$0xFFFFFFD0]  }
0x45: {  	v1 =	vld [tilespmem:s30+$0xFFFFFFD0];
	_ =	sdelay $0x4  }
0x46: {  	v0 =	vmul.f32 v1, v0;
	_ =	sdelay $0x1  }
0x47: {  	[tilespmem:s29+$0xFFFFFFD0] =	vst v0;
	v0 =	vld [tilespmem:s29+$0xFFFFFFE0]  }
0x48: {  	v1 =	vld [tilespmem:s30+$0xFFFFFFE0];
	_ =	sdelay $0x4  }
0x49: {  	v0 =	vmul.f32 v1, v0;
	_ =	sdelay $0x1  }
0x4a: {  	[tilespmem:s29+$0xFFFFFFE0] =	vst v0;
	v0 =	vld [tilespmem:s29+$0xFFFFFFF0]  }
0x4b: {  	v1 =	vld [tilespmem:s30+$0xFFFFFFF0];
	_ =	sdelay $0x4  }
0x4c: {  	v0 =	vmul.f32 v1, v0;
	_ =	sdelay $0x1  }
0x4d: {  	[tilespmem:s29+$0xFFFFFFF0] =	vst v0;
	v0 =	vld [tilespmem:s29+$0x0]  }
0x4e: {  	v1 =	vld [tilespmem:s30+$0x0];
	_ =	sdelay $0x4  }
0x4f: {  	v0 =	vmul.f32 v1, v0;
	_ =	sdelay $0x1  }
0x50: {  	[tilespmem:s29+$0x0] =	vst v0;
	v0 =	vld [tilespmem:s29+$0x10]  }
0x51: {  	v1 =	vld [tilespmem:s30+$0x10];
	_ =	sdelay $0x4  }
0x52: {  	v0 =	vmul.f32 v1, v0;
	_ =	sdelay $0x1  }
0x53: {  	[tilespmem:s29+$0x10] =	vst v0;
	v0 =	vld [tilespmem:s29+$0x20]  }
0x54: {  	v1 =	vld [tilespmem:s30+$0x20];
	_ =	sdelay $0x4  }
0x55: {  	v0 =	vmul.f32 v1, v0;
	_ =	sdelay $0x1  }
0x56: {  	[tilespmem:s29+$0x20] =	vst v0;
	v0 =	vld [tilespmem:s29+$0x30]  }
0x57: {  	v1 =	vld [tilespmem:s30+$0x30];
	_ =	sdelay $0x4  }
0x58: {  	v0 =	vmul.f32 v1, v0  }
0x59: {  	s31 =	simm.s32 $0x0;
	s0 =	simm.s32 $0x4C0  }
.LBB2_2:
0x5a: {  	v1 =	vld [tilespmem:s0+$0xFFFFFFC0];
	[tilespmem:s29+$0x30] =	vst v0;
	s30 =	sadd.s32 $0x80, s30;
	s29 =	smov.u32 s0  }
0x5b: {  	s31 =	sadd.s32 $0x4, s31;
	v0 =	vld [tilespmem:s30+$0xFFFFFFC0]  }
0x5c: {  	p0 =	slt.u32 s31, $0x1FC;
	_ =	sdelay $0x3  }
0x5d: {  	v0 =	vmul.f32 v0, v1;
	_ =	sdelay $0x1  }
0x5e: {  	[tilespmem:s0+$0xFFFFFFC0] =	vst v0;
	v0 =	vld [tilespmem:s0+$0xFFFFFFD0]  }
0x5f: {  	v1 =	vld [tilespmem:s30+$0xFFFFFFD0];
	_ =	sdelay $0x4  }
0x60: {  	v0 =	vmul.f32 v1, v0;
	_ =	sdelay $0x1  }
0x61: {  	[tilespmem:s0+$0xFFFFFFD0] =	vst v0;
	v0 =	vld [tilespmem:s0+$0xFFFFFFE0]  }
0x62: {  	v1 =	vld [tilespmem:s30+$0xFFFFFFE0];
	_ =	sdelay $0x4  }
0x63: {  	v0 =	vmul.f32 v1, v0;
	_ =	sdelay $0x1  }
0x64: {  	[tilespmem:s0+$0xFFFFFFE0] =	vst v0;
	v0 =	vld [tilespmem:s0+$0xFFFFFFF0]  }
0x65: {  	v1 =	vld [tilespmem:s30+$0xFFFFFFF0];
	_ =	sdelay $0x4  }
0x66: {  	v0 =	vmul.f32 v1, v0;
	_ =	sdelay $0x1  }
0x67: {  	[tilespmem:s0+$0xFFFFFFF0] =	vst v0;
	v0 =	vld [tilespmem:s0+$0x0]  }
0x68: {  	v1 =	vld [tilespmem:s30+$0x0];
	_ =	sdelay $0x4  }
0x69: {  	v0 =	vmul.f32 v1, v0;
	_ =	sdelay $0x1  }
0x6a: {  	[tilespmem:s0+$0x0] =	vst v0;
	v0 =	vld [tilespmem:s0+$0x10]  }
0x6b: {  	v1 =	vld [tilespmem:s30+$0x10];
	_ =	sdelay $0x4  }
0x6c: {  	v0 =	vmul.f32 v1, v0;
	_ =	sdelay $0x1  }
0x6d: {  	[tilespmem:s0+$0x10] =	vst v0;
	v0 =	vld [tilespmem:s0+$0x20]  }
0x6e: {  	v1 =	vld [tilespmem:s30+$0x20];
	_ =	sdelay $0x4  }
0x6f: {  	v0 =	vmul.f32 v1, v0;
	_ =	sdelay $0x1  }
0x70: {  	[tilespmem:s0+$0x20] =	vst v0;
	v0 =	vld [tilespmem:s0+$0x30]  }
0x71: {  	v1 =	vld [tilespmem:s30+$0x30];
	_ =	sdelay $0x1  }
.Ltmp0:
0x72: {  	(pc) =	sbr.rel @p0 .LBB2_2-.Ltmp0, $3  }
0x73: {  	_ =	sdelay $0x1  }
0x74: {  	v0 =	vmul.f32 v1, v0  }
0x75: {  	s0 =	sadd.s32 $0x80, s0  }
0x76: {  	s28 =	sadd.s32 $0x1, s28  }
0x77: {  	p0 =	sne.s32 s28, s8  }
.Ltmp1:
0x78: {  	[tilespmem:s29+$0x30] =	vst v0;
	(pc) =	sbr.rel @p0 .LBB2_1-.Ltmp1, $4  }
0x79: {  	[hbm4b:s7+s2] =	stream.linear.scatter [tilespmem:s12], [sflag:$0x3], $0x4000, $0x38;
	[tilespmem:$0x8400] =	vst v63  }
0x7a: {  	_ =	swait.ge [sflag:s9], $0x4000  }
0x7b: {  	[sflag:s9] =	ssyncset.done $0x0  }
0x7c: {  	[sflag:s9] =	ssyncadd.s32 $0xFFFFC000  }
0x7d: {  	_ =	sfence.sel $0x180000  }
0x7e: {  	[bflag:$0x0] =	sbarrier.arrive $0xFFFF  }
0x7f: {  	_ =	strace $0x90000047  }
0x80: {  	[bflag:$0x2] =	sbarrier.arrive $0xFFFF  }
0x81: {  	p0 =	sne.s32 s1, $0x0;
	s0 =	rddreg [dreg:$0x4]  }
0x82: {  	s0 =	sadd.s32 @!p0 $0x100000, s0  }
0x83: {  	[sflag:s0] =	ssyncadd.tile.s32 @!p0 $0x1;
	_ =	shalt  }
.Lfunc_end2:
_tile_overlayer_lowered:
.L_overlay_start_2:
0x84: {  	(tag) =	ssettag $0x2  }
0x85: {  	s0 =	rddreg [dreg:$0x0];
	s2 =	stileid.u32  }
0x86: {  	s1 =	rddreg [dreg:$0x1];
	p0 =	sne.s32 s2, $0x0  }
0x87: {  	s3 =	rddreg [dreg:$0x2];
	[bflag:$0x3] =	sbarrier.arrive $0xFFFF;
	s2 =	simm.s32 @!p0 $0x1C03  }
0x88: {  	[timem:s3], [sflag:s2] =	dma.local @!p0 [hbm:s0], s1  }
0x89: {  	s0 =	simm.s32 @!p0 $0x3  }
0x8a: {  	_ =	swait.ge @!p0 [sflag:s0], s1  }
0x8b: {  	s1 =	ssub.s32 @!p0 $0x0, s1;
	[sflag:s0] =	ssyncset.done @!p0 $0x0  }
0x8c: {  	[sflag:s0] =	ssyncadd.s32 @!p0 s1  }
0x8d: {  	[bflag:$0x3] =	sbarrier.arrive $0xFFFF  }
0x8e: {  	_ =	shalt  }

</sc_bundles>
